<compile_context>
chip_gen: v7x
topology: tpu7x:2x2x1
jax: 0.10.2.dev20260603
libtpu: 0.0.44.dev20260713+nightly
codegen_flags: <defaults>
</compile_context>

<pallas_src>
import functools

import jax
import jax.numpy as jnp
from jax import lax
from jax.experimental import pallas as pl
from jax.experimental.pallas import tpu as pltpu
from jax.experimental.pallas import tpu_sc as plsc

NCORES = 2
NSUB = 16
NTILES = NCORES * NSUB
CHUNK = 128


def _sc_mesh():
    return plsc.VectorSubcoreMesh(
        core_axis_name="c", subcore_axis_name="s",
        num_cores=NCORES, num_subcores=NSUB)


_SC_PARAMS = pltpu.CompilerParams(use_tc_tiling_on_sc=False)



@functools.partial(jax.jit, static_argnames=("npad",))
def _deg_call(e3d, npad):
    erows = e3d.shape[1]
    q, r = divmod(erows, NTILES)
    load_rows = q + (1 if r else 0)
    rps = npad // NSUB
    w = 16

    def body(e_hbm, out_hbm, idx_v, ones_v, zbuf_v, acc_sh, sem):
        cid = lax.axis_index("c")
        sid = lax.axis_index("s")
        wid = cid * NSUB + sid
        base = q * wid + jnp.maximum(0, wid - (NTILES - r))
        cnt = q + jnp.where(wid >= NTILES - r, 1, 0)

        icp = pltpu.async_copy(e_hbm.at[1, pl.ds(base, load_rows)], idx_v, sem)

        def fill(i, _):
            ones_v[i, :] = jnp.ones((16,), jnp.float32)
            return 0
        lax.fori_loop(0, CHUNK, fill, 0)

        def zero(i, _):
            zbuf_v[i, :] = jnp.zeros((16,), jnp.float32)
            return 0
        lax.fori_loop(0, rps, zero, 0)
        pltpu.sync_copy(zbuf_v, acc_sh.at[pl.ds(sid * rps, rps)])
        icp.wait()
        plsc.subcore_barrier()

        def edge(h, _):
            g = 4 * h
            cs = [pltpu.async_copy(ones_v, acc_sh.at[idx_v.at[g + j]], sem,
                                   add=True) for j in range(4)]
            for c in cs:
                c.wait()
            return 0
        lax.fori_loop(0, q // 4, edge, 0)

        def rem(g, _):
            pltpu.sync_copy(ones_v, acc_sh.at[idx_v.at[g]], add=True)
            return 0
        lax.fori_loop(4 * (q // 4), cnt, rem, 0)
        plsc.subcore_barrier()
        pltpu.sync_copy(acc_sh.at[pl.ds(sid * rps, rps)],
                        out_hbm.at[cid, pl.ds(sid * rps, rps)])

    kern = pl.kernel(
        body,
        out_type=jax.ShapeDtypeStruct((NCORES, npad, w), jnp.float32),
        mesh=_sc_mesh(),
        compiler_params=_SC_PARAMS,
        scratch_types=[
            pltpu.VMEM((load_rows, CHUNK), jnp.int32),
            pltpu.VMEM((CHUNK, w), jnp.float32),
            pltpu.VMEM((rps, w), jnp.float32),
            pltpu.VMEM_SHARED((npad, w), jnp.float32),
            pltpu.SemaphoreType.DMA,
        ])
    return kern(e3d)


@functools.partial(jax.jit, static_argnames=("npad",))
def _segsum_call(table, src2d, dst2d, npad):
    erows = src2d.shape[0]
    rpt = erows // NTILES
    rps = npad // NSUB
    w = 32

    nbuf = 8
    dist = 4

    def body(table_hbm, src_hbm, dst_hbm, out_hbm,
             src_v, dst_v, rows, zbuf_v, table_sh, acc_sh, gsems, ssems):
        cid = lax.axis_index("c")
        sid = lax.axis_index("s")
        wid = cid * NSUB + sid

        tcp = pltpu.async_copy(table_hbm.at[pl.ds(sid * rps, rps)],
                               table_sh.at[pl.ds(sid * rps, rps)], gsems[0])
        scp = pltpu.async_copy(src_hbm.at[pl.ds(wid * rpt, rpt)], src_v,
                               gsems[1])
        dcp = pltpu.async_copy(dst_hbm.at[pl.ds(wid * rpt, rpt)], dst_v,
                               gsems[2])

        def zero(i, _):
            zbuf_v[i, pl.ds(0, 16)] = jnp.zeros((16,), jnp.float32)
            zbuf_v[i, pl.ds(16, 16)] = jnp.zeros((16,), jnp.float32)
            return 0
        lax.fori_loop(0, rps, zero, 0)
        pltpu.sync_copy(zbuf_v, acc_sh.at[pl.ds(sid * rps, rps)])
        tcp.wait()
        scp.wait()
        dcp.wait()
        plsc.subcore_barrier()

        def gather(g, b):
            pltpu.async_copy(table_sh.at[src_v.at[g]], rows[b], gsems[b])

        def gather_wait(g, b):
            pltpu.make_async_copy(table_sh.at[src_v.at[g]], rows[b],
                                  gsems[b]).wait()

        def scat(g, b):
            pltpu.async_copy(rows[b], acc_sh.at[dst_v.at[g]], ssems[b],
                             add=True)

        def scat_wait(g, b):
            pltpu.make_async_copy(rows[b], acc_sh.at[dst_v.at[g]],
                                  ssems[b]).wait()

        for j in range(dist):
            gather(j, j)

        def edge(h, _):
            for j in range(nbuf):
                g = nbuf * h + j
                b2 = (j + dist) % nbuf

                @pl.when(g >= dist)
                def _():
                    scat_wait(g - dist, b2)

                @pl.when(g + dist < rpt)
                def _():
                    gather(g + dist, b2)
                gather_wait(g, j)
                scat(g, j)
            return 0
        lax.fori_loop(0, rpt // nbuf, edge, 0)
        for j in range(dist):
            g = rpt - dist + j
            scat_wait(g, g % nbuf)
        plsc.subcore_barrier()
        pltpu.sync_copy(acc_sh.at[pl.ds(sid * rps, rps)],
                        out_hbm.at[cid, pl.ds(sid * rps, rps)])

    kern = pl.kernel(
        body,
        out_type=jax.ShapeDtypeStruct((NCORES, npad, w), jnp.float32),
        mesh=_sc_mesh(),
        compiler_params=_SC_PARAMS,
        scratch_types=[
            pltpu.VMEM((rpt, CHUNK), jnp.int32),
            pltpu.VMEM((rpt, CHUNK), jnp.int32),
            tuple(pltpu.VMEM((CHUNK, w), jnp.float32) for _ in range(nbuf)),
            pltpu.VMEM((rps, w), jnp.float32),
            pltpu.VMEM_SHARED((npad, w), jnp.float32),
            pltpu.VMEM_SHARED((npad, w), jnp.float32),
            tuple(pltpu.SemaphoreType.DMA for _ in range(nbuf)),
            tuple(pltpu.SemaphoreType.DMA for _ in range(nbuf)),
        ])
    return kern(table, src2d, dst2d)



def _tc0(x, w1, npad):
    n = x.shape[0]
    blk = npad // 4

    def body(x_ref, w1_ref, hw_ref):
        i = pl.program_id(0)
        hw = jnp.dot(x_ref[...], w1_ref[...], preferred_element_type=jnp.float32)
        rows = i * blk + lax.broadcasted_iota(jnp.int32, (blk, 1), 0)
        hw_ref[...] = jnp.where(rows < n, hw, 0.0)

    return pl.pallas_call(
        body,
        grid=(4,),
        in_specs=[
            pl.BlockSpec((blk, 128), lambda i: (i, 0)),
            pl.BlockSpec((128, 32), lambda i: (0, 0)),
        ],
        out_specs=pl.BlockSpec((blk, 32), lambda i: (i, 0)),
        out_shape=jax.ShapeDtypeStruct((npad, 32), jnp.float32),
    )(x, w1)


def _tc1s(degparts, hw):
    npad = hw.shape[0]
    blk = npad // 4

    def body(dp_ref, hw_ref, dinv_ref, hw2_ref):
        dp = dp_ref[0] + dp_ref[1]
        deg = dp[:, 0:1] + 1.0
        dinv = lax.rsqrt(deg)
        hw2_ref[...] = hw_ref[...] * dinv
        dinv_ref[...] = jnp.broadcast_to(dinv, (blk, 8))

    return pl.pallas_call(
        body,
        grid=(4,),
        in_specs=[
            pl.BlockSpec((NCORES, blk, 16), lambda i: (0, i, 0)),
            pl.BlockSpec((blk, 32), lambda i: (i, 0)),
        ],
        out_specs=[
            pl.BlockSpec((blk, 8), lambda i: (i, 0)),
            pl.BlockSpec((blk, 32), lambda i: (i, 0)),
        ],
        out_shape=[
            jax.ShapeDtypeStruct((npad, 8), jnp.float32),
            jax.ShapeDtypeStruct((npad, 32), jnp.float32),
        ],
    )(degparts, hw)


def _tc2(parts, hw2, dinv8, b1, w2, n_valid):
    npad = hw2.shape[0]
    blk = npad // 4

    def body(p_ref, hw2_ref, dinv_ref, b1_ref, w2_ref, out_ref):
        i = pl.program_id(0)
        dinv = dinv_ref[:, 0:1]
        s = p_ref[0] + p_ref[1] + hw2_ref[...]
        h1 = jnp.maximum(dinv * s + b1_ref[...], 0.0)
        hw2n = jnp.dot(h1, w2_ref[...], preferred_element_type=jnp.float32)
        hw2n = hw2n * dinv
        rows = i * blk + lax.broadcasted_iota(jnp.int32, (blk, 1), 0)
        out_ref[...] = jnp.where(rows < n_valid, hw2n, 0.0)

    return pl.pallas_call(
        body,
        grid=(4,),
        in_specs=[
            pl.BlockSpec((NCORES, blk, 32), lambda i: (0, i, 0)),
            pl.BlockSpec((blk, 32), lambda i: (i, 0)),
            pl.BlockSpec((blk, 8), lambda i: (i, 0)),
            pl.BlockSpec((1, 32), lambda i: (0, 0)),
            pl.BlockSpec((32, 32), lambda i: (0, 0)),
        ],
        out_specs=pl.BlockSpec((blk, 32), lambda i: (i, 0)),
        out_shape=jax.ShapeDtypeStruct((npad, 32), jnp.float32),
    )(parts, hw2, dinv8, b1, w2)


def _tc3(parts2, hw2p, dinv8, b2, n2v, w_iht, w_hht, b_ih, b_hh, w_lin, b_lin):
    t_dim, n, h = n2v.shape
    g = 2 * h
    z = w_lin.shape[1]
    blk = 2000
    grid = n // blk

    def body(p_ref, hw2_ref, dinv_ref, b2_ref, n2v_ref, wih_ref, whh_ref,
             bih_ref, bhh_ref, wlin_ref, blin_ref, out_ref):
        dinv = dinv_ref[:, 0:1]
        z2 = dinv * (p_ref[0] + p_ref[1] + hw2_ref[...]) + b2_ref[...]
        dn = (((1,), (1,)), ((), ()))
        xs_all = jnp.concatenate(
            [jnp.tanh(jnp.concatenate([z2, n2v_ref[t]], axis=1))
             for t in range(t_dim)], axis=0)
        gi_all = lax.dot_general(xs_all, wih_ref[...], dn,
                                 preferred_element_type=jnp.float32) + bih_ref[...]
        hstate = jnp.zeros((blk, g), jnp.float32)
        hs = []
        for t in range(t_dim):
            gi = gi_all[t * blk:(t + 1) * blk]
            gh = lax.dot_general(hstate, whh_ref[...], dn,
                                 preferred_element_type=jnp.float32) + bhh_ref[...]
            r = jax.nn.sigmoid(gi[:, 0:g] + gh[:, 0:g])
            zg = jax.nn.sigmoid(gi[:, g:2 * g] + gh[:, g:2 * g])
            cand = jnp.tanh(gi[:, 2 * g:3 * g] + r * gh[:, 2 * g:3 * g])
            hstate = (1.0 - zg) * cand + zg * hstate
            hs.append(hstate)
        res_all = jnp.dot(jnp.concatenate(hs, axis=0), wlin_ref[...],
                          preferred_element_type=jnp.float32) + blin_ref[...]
        for t in range(t_dim):
            out_ref[t] = res_all[t * blk:(t + 1) * blk]

    return pl.pallas_call(
        body,
        grid=(grid,),
        in_specs=[
            pl.BlockSpec((NCORES, blk, h), lambda i: (0, i, 0)),
            pl.BlockSpec((blk, h), lambda i: (i, 0)),
            pl.BlockSpec((blk, 8), lambda i: (i, 0)),
            pl.BlockSpec((1, h), lambda i: (0, 0)),
            pl.BlockSpec((t_dim, blk, h), lambda i: (0, i, 0)),
            pl.BlockSpec((3 * g, g), lambda i: (0, 0)),
            pl.BlockSpec((3 * g, g), lambda i: (0, 0)),
            pl.BlockSpec((1, 3 * g), lambda i: (0, 0)),
            pl.BlockSpec((1, 3 * g), lambda i: (0, 0)),
            pl.BlockSpec((g, z), lambda i: (0, 0)),
            pl.BlockSpec((1, z), lambda i: (0, 0)),
        ],
        out_specs=pl.BlockSpec((t_dim, blk, z), lambda i: (0, i, 0)),
        out_shape=jax.ShapeDtypeStruct((t_dim, n, z), jnp.float32),
    )(parts2, hw2p, dinv8, b2, n2v, w_iht, w_hht, b_ih, b_hh, w_lin, b_lin)



def kernel(x, edge_index, N2V_embeds, W1, b1, W2, b2,
           W_ih, W_hh, b_ih, b_hh, W_lin, b_lin):
    n, f = x.shape
    e = edge_index.shape[1]

    npad = ((n + 127) // 128) * 128
    epad = ((e + NTILES * CHUNK * 8 - 1) // (NTILES * CHUNK * 8)) * (NTILES * CHUNK * 8)

    degparts = _deg_call(edge_index.reshape(2, e // CHUNK, CHUNK), npad=npad)

    padfill = (n + jnp.arange(epad - e, dtype=jnp.int32) % (npad - n))
    src = jnp.concatenate([edge_index[0], padfill]).reshape(epad // CHUNK, CHUNK)
    dst = jnp.concatenate([edge_index[1], padfill]).reshape(epad // CHUNK, CHUNK)

    hw = _tc0(x, W1, npad)
    dinv8, hw2 = _tc1s(degparts, hw)
    parts1 = _segsum_call(hw2, src, dst, npad=npad)
    hw2p = _tc2(parts1, hw2, dinv8, b1.reshape(1, -1), W2, n)
    parts2 = _segsum_call(hw2p, src, dst, npad=npad)
    out = _tc3(parts2, hw2p, dinv8, b2.reshape(1, -1), N2V_embeds,
               W_ih, W_hh, b_ih.reshape(1, -1), b_hh.reshape(1, -1),
               W_lin, b_lin.reshape(1, -1))
    return out

# --- scband reference (transcript-rebuilt; emitter-appended) ---
"""Pipeline reference for scband-euler-gcn-19301583028818 (READ-ONLY COPY).

The authoritative reference and input builder live on the scoring server;
editing this copy changes nothing except your own understanding.
"""

import jax, jax.numpy as jnp
import numpy as np

N = 10000
F = 128
E = 320000
T = 4
H = 32
Z = 16
G = 2 * H


def setup_inputs(seed: int = 0) -> dict:
    key = jax.random.key(seed)
    ks = jax.random.split(key, 12)
    x = jax.random.normal(ks[0], (N, F), dtype=jnp.float32)
    edge_index = jax.random.randint(ks[1], (2, E), 0, N, dtype=jnp.int32)
    n2v = jax.random.normal(ks[2], (T, N, H), dtype=jnp.float32)
    W1 = jax.random.normal(ks[3], (F, H), dtype=jnp.float32) * (1.0 / np.sqrt(F))
    b1 = jnp.zeros((H,), dtype=jnp.float32)
    W2 = jax.random.normal(ks[4], (H, H), dtype=jnp.float32) * (1.0 / np.sqrt(H))
    b2 = jnp.zeros((H,), dtype=jnp.float32)
    W_ih = jax.random.normal(ks[5], (3 * G, G), dtype=jnp.float32) * (1.0 / np.sqrt(G))
    W_hh = jax.random.normal(ks[6], (3 * G, G), dtype=jnp.float32) * (1.0 / np.sqrt(G))
    b_ih = jnp.zeros((3 * G,), dtype=jnp.float32)
    b_hh = jnp.zeros((3 * G,), dtype=jnp.float32)
    W_lin = jax.random.normal(ks[7], (G, Z), dtype=jnp.float32) * (1.0 / np.sqrt(G))
    b_lin = jnp.zeros((Z,), dtype=jnp.float32)
    return dict(x=x, edge_index=edge_index, N2V_embeds=n2v, W1=W1, b1=b1, W2=W2, b2=b2,
                W_ih=W_ih, W_hh=W_hh, b_ih=b_ih, b_hh=b_hh, W_lin=W_lin, b_lin=b_lin)


def _gcn_norm(edge_index, n):
    # add self loops, then symmetric GCN normalization D^{-1/2}(A+I)D^{-1/2}
    loops = jnp.arange(n, dtype=edge_index.dtype)
    src = jnp.concatenate([edge_index[0], loops])
    dst = jnp.concatenate([edge_index[1], loops])
    deg = jax.ops.segment_sum(jnp.ones_like(dst, dtype=jnp.float32), dst, num_segments=n)
    dinv = jnp.where(deg > 0, 1.0 / jnp.sqrt(deg), 0.0)
    norm = dinv[src] * dinv[dst]
    return src, dst, norm


def reference(x, edge_index, N2V_embeds, W1, b1, W2, b2, W_ih, W_hh, b_ih, b_hh, W_lin, b_lin):
    # eval mode: Dropout / DropEdge are identity; mask_fn(i) == edge_index; ew ignored (use_w=False)
    n = x.shape[0]
    src, dst, norm = _gcn_norm(edge_index, n)

    def conv(h, W, b):
        hw = h @ W
        msg = hw[src] * norm[:, None]
        return jax.ops.segment_sum(msg, dst, num_segments=n) + b

    h1 = jax.nn.relu(conv(x, W1, b1))
    z2 = conv(h1, W2, b2)  # [N, H]
    t = N2V_embeds.shape[0]
    embeds = jnp.concatenate(
        [jnp.broadcast_to(z2[None], (t, n, z2.shape[1])), N2V_embeds], axis=2)  # [T, N, 2H]
    xs = jnp.tanh(embeds)

    g = W_hh.shape[1]

    def step(hprev, xt):
        gi = xt @ W_ih.T + b_ih
        gh = hprev @ W_hh.T + b_hh
        i_r, i_z, i_n = jnp.split(gi, 3, axis=1)
        h_r, h_z, h_n = jnp.split(gh, 3, axis=1)
        r = jax.nn.sigmoid(i_r + h_r)
        zg = jax.nn.sigmoid(i_z + h_z)
        cand = jnp.tanh(i_n + r * h_n)
        hnew = (1.0 - zg) * cand + zg * hprev
        return hnew, hnew

    h0 = jnp.zeros((n, g), dtype=x.dtype)
    _, hs = jax.lax.scan(step, h0, xs)  # [T, N, 2H]
    return hs @ W_lin + b_lin  # [T, N, Z]


if False:  # reference __main__ guard neutralized (emitter)
    out = reference(**setup_inputs())
    print(out.shape)

if __name__ == "__main__":
    import jax
    _d = setup_inputs()
    print(jax.jit(kernel)(*tuple(_d.values())))

</pallas_src>

<mosaic_0001>
#map = affine_map<(d0, d1) -> (0, 0, 0)>
module attributes {stable_mosaic.version = 14 : i64} {
  func.func @body(%arg0: i32, %arg1: i32, %arg2: memref<2x2500x128xi32, #tpu.memory_space<hbm>>, %arg3: memref<2x10112x16xf32, #tpu.memory_space<hbm>>, %arg4: memref<79x128xi32, #tpu.memory_space<vmem>>, %arg5: memref<128x16xf32, #tpu.memory_space<vmem>>, %arg6: memref<632x16xf32, #tpu.memory_space<vmem>>, %arg7: memref<10112x16xf32, #tpu.memory_space<vmem_shared>>, %arg8: memref<!tpu.dma_semaphore, #tpu.memory_space<semaphore_mem>>) attributes {dimension_semantics = [#tpu.dimension_semantics<core_parallel>, #tpu.dimension_semantics<subcore_parallel>], iteration_bounds = array<i64: 2, 16>, scalar_prefetch = 0 : i64, scratch_operands = 5 : i64, tpu.core_type = #tpu.core_type<sc_vector_subcore>, window_params = [{transform_indices = #map}, {transform_indices = #map}]} {
    %mul3A = arith.constant 16 : i32
    %mul3A_0 = arith.muli %arg0, %mul3A : i32
    %add3A = arith.addi %mul3A_0, %arg1 : i32
    %mul3A_1 = arith.constant 78 : i32
    %mul3A_2 = arith.muli %mul3A_1, %add3A : i32
    %sub3A = arith.constant 28 : i32
    %sub3A_3 = arith.subi %add3A, %sub3A : i32
    %max3A = arith.constant 0 : i32
    %max3A_4 = arith.maxsi %max3A, %sub3A_3 : i32
    %add3A_5 = arith.addi %mul3A_2, %max3A_4 : i32
    %ge3A = arith.constant 28 : i32
    %ge3A_6 = arith.cmpi sge, %add3A, %ge3A : i32
    %jit3A = arith.constant 1 : i32
    %jit3A_7 = arith.constant 0 : i32
    %select_n3A = arith.select %ge3A_6, %jit3A, %jit3A_7 : i32
    %add3A_8 = arith.constant 78 : i32
    %add3A_9 = arith.addi %add3A_8, %select_n3A : i32
    %dma_start3A = arith.constant 1 : i32
    %dma_start3A_10 = arith.constant 0 : i32
    %dma_start3A_11 = tpu.memref_slice %arg2[%dma_start3A, %add3A_5, %dma_start3A_10] : memref<2x2500x128xi32, #tpu.memory_space<hbm>> -> memref<1x79x128xi32, #tpu.memory_space<hbm>>
    %dma_start3A_12 = tpu.memref_squeeze %dma_start3A_11 : memref<1x79x128xi32, #tpu.memory_space<hbm>> -> memref<79x128xi32, #tpu.memory_space<hbm>>
    %dma_start3A_13 = arith.constant 0 : i32
    %dma_start3A_14 = tpu.memref_slice %arg2[%dma_start3A, %add3A_5, %dma_start3A_13] : memref<2x2500x128xi32, #tpu.memory_space<hbm>> -> memref<1x79x128xi32, #tpu.memory_space<hbm>>
    %dma_start3A_15 = tpu.memref_squeeze %dma_start3A_14 : memref<1x79x128xi32, #tpu.memory_space<hbm>> -> memref<79x128xi32, #tpu.memory_space<hbm>>
    tpu.enqueue_dma source(%dma_start3A_15 : memref<79x128xi32, #tpu.memory_space<hbm>>) target(%arg4 : memref<79x128xi32, #tpu.memory_space<vmem>>) target_semaphore(%arg8 : memref<!tpu.dma_semaphore, #tpu.memory_space<semaphore_mem>>)
    %scan3A = arith.constant 0 : i32
    %scan3A_16 = arith.constant 0 : i32
    %scan3A_17 = arith.constant 128 : i32
    %scan3A_18 = arith.addi %scan3A_16, %scan3A_17 : i32
    %scan3A_19 = arith.constant 1 : i32
    %scan3A_20 = scf.for %scan3A_60 = %scan3A_16 to %scan3A_18 step %scan3A_19 iter_args(%scan3A_61 = %scan3A) -> (i32)  : i32 {
      %broadcast_in_dim3A = arith.constant 1.000000e+00 : f32
      %broadcast_in_dim3A_62 = vector.broadcast %broadcast_in_dim3A : f32 to vector<16xf32>
      %swap3A = arith.index_cast %scan3A_60 : i32 to index
      %swap3A_63 = arith.constant 0 : index
      %swap3A_64 = tpu.vector_load %arg5[%swap3A, %swap3A_63] {strides = array<i32>} : memref<128x16xf32, #tpu.memory_space<vmem>>, vector<1x16xf32>,
      %swap3A_65 = vector.shape_cast %swap3A_64 : vector<1x16xf32> to vector<16xf32>
      %swap3A_66 = vector.shape_cast %broadcast_in_dim3A_62 : vector<16xf32> to vector<1x16xf32>
      tpu.vector_store %arg5[%swap3A, %swap3A_63], %swap3A_66 {strides = array<i32>} : memref<128x16xf32, #tpu.memory_space<vmem>>, vector<1x16xf32>,
      %scan3A_67 = arith.constant 0 : i32
      scf.yield %scan3A_67 : i32
    }
    %scan3A_21 = arith.constant 128 : i32
    %scan3A_22 = arith.constant 0 : i32
    %scan3A_23 = arith.constant 0 : i32
    %scan3A_24 = arith.constant 632 : i32
    %scan3A_25 = arith.addi %scan3A_23, %scan3A_24 : i32
    %scan3A_26 = arith.constant 1 : i32
    %scan3A_27 = scf.for %scan3A_60 = %scan3A_23 to %scan3A_25 step %scan3A_26 iter_args(%scan3A_61 = %scan3A_22) -> (i32)  : i32 {
      %broadcast_in_dim3A = arith.constant 0.000000e+00 : f32
      %broadcast_in_dim3A_62 = vector.broadcast %broadcast_in_dim3A : f32 to vector<16xf32>
      %swap3A = arith.index_cast %scan3A_60 : i32 to index
      %swap3A_63 = arith.constant 0 : index
      %swap3A_64 = tpu.vector_load %arg6[%swap3A, %swap3A_63] {strides = array<i32>} : memref<632x16xf32, #tpu.memory_space<vmem>>, vector<1x16xf32>,
      %swap3A_65 = vector.shape_cast %swap3A_64 : vector<1x16xf32> to vector<16xf32>
      %swap3A_66 = vector.shape_cast %broadcast_in_dim3A_62 : vector<16xf32> to vector<1x16xf32>
      tpu.vector_store %arg6[%swap3A, %swap3A_63], %swap3A_66 {strides = array<i32>} : memref<632x16xf32, #tpu.memory_space<vmem>>, vector<1x16xf32>,
      %scan3A_67 = arith.constant 0 : i32
      scf.yield %scan3A_67 : i32
    }
    %scan3A_28 = arith.constant 632 : i32
    %mul3A_29 = arith.constant 632 : i32
    %mul3A_30 = arith.muli %arg1, %mul3A_29 : i32
    "tpu.region"() ({
      %run_scoped3A = tpu.sem_alloc : memref<!tpu.dma_semaphore, #tpu.memory_space<semaphore_mem>>
      %dma_start3A_60 = arith.constant 0 : i32
      %dma_start3A_61 = tpu.memref_slice %arg7[%mul3A_30, %dma_start3A_60] : memref<10112x16xf32, #tpu.memory_space<vmem_shared>> -> memref<632x16xf32, #tpu.memory_space<vmem_shared>>
      %dma_start3A_62 = arith.constant 0 : i32
      %dma_start3A_63 = tpu.memref_slice %arg7[%mul3A_30, %dma_start3A_62] : memref<10112x16xf32, #tpu.memory_space<vmem_shared>> -> memref<632x16xf32, #tpu.memory_space<vmem_shared>>
      tpu.enqueue_dma source(%arg6 : memref<632x16xf32, #tpu.memory_space<vmem>>) target(%dma_start3A_63 : memref<632x16xf32, #tpu.memory_space<vmem_shared>>) target_semaphore(%run_scoped3A : memref<!tpu.dma_semaphore, #tpu.memory_space<semaphore_mem>>)
      %dma_wait3A_64 = arith.constant 0 : i32
      %dma_wait3A_65 = tpu.memref_slice %arg7[%mul3A_30, %dma_wait3A_64] : memref<10112x16xf32, #tpu.memory_space<vmem_shared>> -> memref<632x16xf32, #tpu.memory_space<vmem_shared>>
      %dma_wait3A_66 = arith.constant 0 : i32
      %dma_wait3A_67 = tpu.memref_slice %arg7[%mul3A_30, %dma_wait3A_66] : memref<10112x16xf32, #tpu.memory_space<vmem_shared>> -> memref<632x16xf32, #tpu.memory_space<vmem_shared>>
      tpu.wait_dma2 semaphore(%run_scoped3A : memref<!tpu.dma_semaphore, #tpu.memory_space<semaphore_mem>>) src(%arg6 : memref<632x16xf32, #tpu.memory_space<vmem>>) dst(%dma_wait3A_67 : memref<632x16xf32, #tpu.memory_space<vmem_shared>>)
      tpu.yield
    }) : () -> ()
    %dma_wait3A = arith.constant 1 : i32
    %dma_wait3A_31 = arith.constant 0 : i32
    %dma_wait3A_32 = tpu.memref_slice %arg2[%dma_wait3A, %add3A_5, %dma_wait3A_31] : memref<2x2500x128xi32, #tpu.memory_space<hbm>> -> memref<1x79x128xi32, #tpu.memory_space<hbm>>
    %dma_wait3A_33 = tpu.memref_squeeze %dma_wait3A_32 : memref<1x79x128xi32, #tpu.memory_space<hbm>> -> memref<79x128xi32, #tpu.memory_space<hbm>>
    %dma_wait3A_34 = arith.constant 0 : i32
    %dma_wait3A_35 = tpu.memref_slice %arg2[%dma_wait3A, %add3A_5, %dma_wait3A_34] : memref<2x2500x128xi32, #tpu.memory_space<hbm>> -> memref<1x79x128xi32, #tpu.memory_space<hbm>>
    %dma_wait3A_36 = tpu.memref_squeeze %dma_wait3A_35 : memref<1x79x128xi32, #tpu.memory_space<hbm>> -> memref<79x128xi32, #tpu.memory_space<hbm>>
    tpu.wait_dma2 semaphore(%arg8 : memref<!tpu.dma_semaphore, #tpu.memory_space<semaphore_mem>>) src(%dma_wait3A_36 : memref<79x128xi32, #tpu.memory_space<hbm>>) dst(%arg4 : memref<79x128xi32, #tpu.memory_space<vmem>>)
    %barrier3A = arith.constant 0 : index
    tpu.barrier barrier_id(%barrier3A)
    %scan3A_37 = arith.constant 0 : i32
    %scan3A_38 = arith.constant 0 : i32
    %scan3A_39 = arith.constant 19 : i32
    %scan3A_40 = arith.addi %scan3A_38, %scan3A_39 : i32
    %scan3A_41 = arith.constant 1 : i32
    %scan3A_42 = scf.for %scan3A_60 = %scan3A_38 to %scan3A_40 step %scan3A_41 iter_args(%scan3A_61 = %scan3A_37) -> (i32)  : i32 {
      %mul3A_62 = arith.constant 4 : i32
      %mul3A_63 = arith.muli %mul3A_62, %scan3A_60 : i32
      %add3A_64 = arith.constant 0 : i32
      %add3A_65 = arith.addi %mul3A_63, %add3A_64 : i32
      %dma_start3A_66 = arith.constant 0 : i32
      %dma_start3A_67 = tpu.memref_slice %arg4[%add3A_65, %dma_start3A_66] : memref<79x128xi32, #tpu.memory_space<vmem>> -> memref<1x128xi32, #tpu.memory_space<vmem>>
      %dma_start3A_68 = tpu.memref_squeeze %dma_start3A_67 : memref<1x128xi32, #tpu.memory_space<vmem>> -> memref<128xi32, #tpu.memory_space<vmem>>
      %dma_start3A_69 = arith.constant 0 : i32
      %dma_start3A_70 = arith.constant 0 : i32
      %dma_start3A_71 = tpu.memref_slice %arg7[%dma_start3A_69, %dma_start3A_70] : memref<10112x16xf32, #tpu.memory_space<vmem_shared>> -> memref<10112x16xf32, #tpu.memory_space<vmem_shared>>
      tpu.enqueue_indirect_dma source(%arg5 : memref<128x16xf32, #tpu.memory_space<vmem>>) target(%dma_start3A_71 : memref<10112x16xf32, #tpu.memory_space<vmem_shared>>) offsets(%dma_start3A_68 : memref<128xi32, #tpu.memory_space<vmem>>) semaphore(%arg8 : memref<!tpu.dma_semaphore, #tpu.memory_space<semaphore_mem>>) {add = true}
      %add3A_72 = arith.constant 1 : i32
      %add3A_73 = arith.addi %mul3A_63, %add3A_72 : i32
      %dma_start3A_74 = arith.constant 0 : i32
      %dma_start3A_75 = tpu.memref_slice %arg4[%add3A_73, %dma_start3A_74] : memref<79x128xi32, #tpu.memory_space<vmem>> -> memref<1x128xi32, #tpu.memory_space<vmem>>
      %dma_start3A_76 = tpu.memref_squeeze %dma_start3A_75 : memref<1x128xi32, #tpu.memory_space<vmem>> -> memref<128xi32, #tpu.memory_space<vmem>>
      %dma_start3A_77 = arith.constant 0 : i32
      %dma_start3A_78 = arith.constant 0 : i32
      %dma_start3A_79 = tpu.memref_slice %arg7[%dma_start3A_77, %dma_start3A_78] : memref<10112x16xf32, #tpu.memory_space<vmem_shared>> -> memref<10112x16xf32, #tpu.memory_space<vmem_shared>>
      tpu.enqueue_indirect_dma source(%arg5 : memref<128x16xf32, #tpu.memory_space<vmem>>) target(%dma_start3A_79 : memref<10112x16xf32, #tpu.memory_space<vmem_shared>>) offsets(%dma_start3A_76 : memref<128xi32, #tpu.memory_space<vmem>>) semaphore(%arg8 : memref<!tpu.dma_semaphore, #tpu.memory_space<semaphore_mem>>) {add = true}
      %add3A_80 = arith.constant 2 : i32
      %add3A_81 = arith.addi %mul3A_63, %add3A_80 : i32
      %dma_start3A_82 = arith.constant 0 : i32
      %dma_start3A_83 = tpu.memref_slice %arg4[%add3A_81, %dma_start3A_82] : memref<79x128xi32, #tpu.memory_space<vmem>> -> memref<1x128xi32, #tpu.memory_space<vmem>>
      %dma_start3A_84 = tpu.memref_squeeze %dma_start3A_83 : memref<1x128xi32, #tpu.memory_space<vmem>> -> memref<128xi32, #tpu.memory_space<vmem>>
      %dma_start3A_85 = arith.constant 0 : i32
      %dma_start3A_86 = arith.constant 0 : i32
      %dma_start3A_87 = tpu.memref_slice %arg7[%dma_start3A_85, %dma_start3A_86] : memref<10112x16xf32, #tpu.memory_space<vmem_shared>> -> memref<10112x16xf32, #tpu.memory_space<vmem_shared>>
      tpu.enqueue_indirect_dma source(%arg5 : memref<128x16xf32, #tpu.memory_space<vmem>>) target(%dma_start3A_87 : memref<10112x16xf32, #tpu.memory_space<vmem_shared>>) offsets(%dma_start3A_84 : memref<128xi32, #tpu.memory_space<vmem>>) semaphore(%arg8 : memref<!tpu.dma_semaphore, #tpu.memory_space<semaphore_mem>>) {add = true}
      %add3A_88 = arith.constant 3 : i32
      %add3A_89 = arith.addi %mul3A_63, %add3A_88 : i32
      %dma_start3A_90 = arith.constant 0 : i32
      %dma_start3A_91 = tpu.memref_slice %arg4[%add3A_89, %dma_start3A_90] : memref<79x128xi32, #tpu.memory_space<vmem>> -> memref<1x128xi32, #tpu.memory_space<vmem>>
      %dma_start3A_92 = tpu.memref_squeeze %dma_start3A_91 : memref<1x128xi32, #tpu.memory_space<vmem>> -> memref<128xi32, #tpu.memory_space<vmem>>
      %dma_start3A_93 = arith.constant 0 : i32
      %dma_start3A_94 = arith.constant 0 : i32
      %dma_start3A_95 = tpu.memref_slice %arg7[%dma_start3A_93, %dma_start3A_94] : memref<10112x16xf32, #tpu.memory_space<vmem_shared>> -> memref<10112x16xf32, #tpu.memory_space<vmem_shared>>
      tpu.enqueue_indirect_dma source(%arg5 : memref<128x16xf32, #tpu.memory_space<vmem>>) target(%dma_start3A_95 : memref<10112x16xf32, #tpu.memory_space<vmem_shared>>) offsets(%dma_start3A_92 : memref<128xi32, #tpu.memory_space<vmem>>) semaphore(%arg8 : memref<!tpu.dma_semaphore, #tpu.memory_space<semaphore_mem>>) {add = true}
      %dma_wait3A_96 = arith.constant 0 : i32
      %dma_wait3A_97 = tpu.memref_slice %arg4[%add3A_65, %dma_wait3A_96] : memref<79x128xi32, #tpu.memory_space<vmem>> -> memref<1x128xi32, #tpu.memory_space<vmem>>
      %dma_wait3A_98 = tpu.memref_squeeze %dma_wait3A_97 : memref<1x128xi32, #tpu.memory_space<vmem>> -> memref<128xi32, #tpu.memory_space<vmem>>
      %dma_wait3A_99 = arith.constant 0 : i32
      %dma_wait3A_100 = arith.constant 0 : i32
      %dma_wait3A_101 = tpu.memref_slice %arg7[%dma_wait3A_99, %dma_wait3A_100] : memref<10112x16xf32, #tpu.memory_space<vmem_shared>> -> memref<10112x16xf32, #tpu.memory_space<vmem_shared>>
      tpu.wait_indirect_dma semaphore(%arg8 : memref<!tpu.dma_semaphore, #tpu.memory_space<semaphore_mem>>) src(%arg5 : memref<128x16xf32, #tpu.memory_space<vmem>>) dst(%dma_wait3A_101 : memref<10112x16xf32, #tpu.memory_space<vmem_shared>>)
      %dma_wait3A_102 = arith.constant 0 : i32
      %dma_wait3A_103 = tpu.memref_slice %arg4[%add3A_73, %dma_wait3A_102] : memref<79x128xi32, #tpu.memory_space<vmem>> -> memref<1x128xi32, #tpu.memory_space<vmem>>
      %dma_wait3A_104 = tpu.memref_squeeze %dma_wait3A_103 : memref<1x128xi32, #tpu.memory_space<vmem>> -> memref<128xi32, #tpu.memory_space<vmem>>
      %dma_wait3A_105 = arith.constant 0 : i32
      %dma_wait3A_106 = arith.constant 0 : i32
      %dma_wait3A_107 = tpu.memref_slice %arg7[%dma_wait3A_105, %dma_wait3A_106] : memref<10112x16xf32, #tpu.memory_space<vmem_shared>> -> memref<10112x16xf32, #tpu.memory_space<vmem_shared>>
      tpu.wait_indirect_dma semaphore(%arg8 : memref<!tpu.dma_semaphore, #tpu.memory_space<semaphore_mem>>) src(%arg5 : memref<128x16xf32, #tpu.memory_space<vmem>>) dst(%dma_wait3A_107 : memref<10112x16xf32, #tpu.memory_space<vmem_shared>>)
      %dma_wait3A_108 = arith.constant 0 : i32
      %dma_wait3A_109 = tpu.memref_slice %arg4[%add3A_81, %dma_wait3A_108] : memref<79x128xi32, #tpu.memory_space<vmem>> -> memref<1x128xi32, #tpu.memory_space<vmem>>
      %dma_wait3A_110 = tpu.memref_squeeze %dma_wait3A_109 : memref<1x128xi32, #tpu.memory_space<vmem>> -> memref<128xi32, #tpu.memory_space<vmem>>
      %dma_wait3A_111 = arith.constant 0 : i32
      %dma_wait3A_112 = arith.constant 0 : i32
      %dma_wait3A_113 = tpu.memref_slice %arg7[%dma_wait3A_111, %dma_wait3A_112] : memref<10112x16xf32, #tpu.memory_space<vmem_shared>> -> memref<10112x16xf32, #tpu.memory_space<vmem_shared>>
      tpu.wait_indirect_dma semaphore(%arg8 : memref<!tpu.dma_semaphore, #tpu.memory_space<semaphore_mem>>) src(%arg5 : memref<128x16xf32, #tpu.memory_space<vmem>>) dst(%dma_wait3A_113 : memref<10112x16xf32, #tpu.memory_space<vmem_shared>>)
      %dma_wait3A_114 = arith.constant 0 : i32
      %dma_wait3A_115 = tpu.memref_slice %arg4[%add3A_89, %dma_wait3A_114] : memref<79x128xi32, #tpu.memory_space<vmem>> -> memref<1x128xi32, #tpu.memory_space<vmem>>
      %dma_wait3A_116 = tpu.memref_squeeze %dma_wait3A_115 : memref<1x128xi32, #tpu.memory_space<vmem>> -> memref<128xi32, #tpu.memory_space<vmem>>
      %dma_wait3A_117 = arith.constant 0 : i32
      %dma_wait3A_118 = arith.constant 0 : i32
      %dma_wait3A_119 = tpu.memref_slice %arg7[%dma_wait3A_117, %dma_wait3A_118] : memref<10112x16xf32, #tpu.memory_space<vmem_shared>> -> memref<10112x16xf32, #tpu.memory_space<vmem_shared>>
      tpu.wait_indirect_dma semaphore(%arg8 : memref<!tpu.dma_semaphore, #tpu.memory_space<semaphore_mem>>) src(%arg5 : memref<128x16xf32, #tpu.memory_space<vmem>>) dst(%dma_wait3A_119 : memref<10112x16xf32, #tpu.memory_space<vmem_shared>>)
      %scan3A_120 = arith.constant 0 : i32
      scf.yield %scan3A_120 : i32
    }
    %scan3A_43 = arith.constant 19 : i32
    %while3A = arith.constant 76 : i32
    %while3A_44 = arith.constant 0 : i32
    %while3A_45 = arith.subi %add3A_9, %while3A : i32
    %while3A_46 = arith.addi %while3A, %while3A_45 : i32
    %while3A_47 = arith.constant 1 : i32
    %while3A_48 = arith.divsi %while3A_45, %while3A_47 : i32
    %while3A_49 = arith.muli %while3A_48, %while3A_47 : i32
    %while3A_50 = arith.addi %while3A, %while3A_49 : i32
    %while3A_51 = arith.constant 1 : i32
    %while3A_52 = scf.for %while3A_60 = %while3A to %while3A_50 step %while3A_51 iter_args(%while3A_61 = %while3A_44) -> (i32)  : i32 {
      "tpu.region"() ({
        %run_scoped3A = tpu.sem_alloc : memref<!tpu.dma_semaphore, #tpu.memory_space<semaphore_mem>>
        %dma_start3A_63 = arith.constant 0 : i32
        %dma_start3A_64 = tpu.memref_slice %arg4[%while3A_60, %dma_start3A_63] : memref<79x128xi32, #tpu.memory_space<vmem>> -> memref<1x128xi32, #tpu.memory_space<vmem>>
        %dma_start3A_65 = tpu.memref_squeeze %dma_start3A_64 : memref<1x128xi32, #tpu.memory_space<vmem>> -> memref<128xi32, #tpu.memory_space<vmem>>
        %dma_start3A_66 = arith.constant 0 : i32
        %dma_start3A_67 = arith.constant 0 : i32
        %dma_start3A_68 = tpu.memref_slice %arg7[%dma_start3A_66, %dma_start3A_67] : memref<10112x16xf32, #tpu.memory_space<vmem_shared>> -> memref<10112x16xf32, #tpu.memory_space<vmem_shared>>
        tpu.enqueue_indirect_dma source(%arg5 : memref<128x16xf32, #tpu.memory_space<vmem>>) target(%dma_start3A_68 : memref<10112x16xf32, #tpu.memory_space<vmem_shared>>) offsets(%dma_start3A_65 : memref<128xi32, #tpu.memory_space<vmem>>) semaphore(%run_scoped3A : memref<!tpu.dma_semaphore, #tpu.memory_space<semaphore_mem>>) {add = true}
        %dma_wait3A_69 = arith.constant 0 : i32
        %dma_wait3A_70 = tpu.memref_slice %arg4[%while3A_60, %dma_wait3A_69] : memref<79x128xi32, #tpu.memory_space<vmem>> -> memref<1x128xi32, #tpu.memory_space<vmem>>
        %dma_wait3A_71 = tpu.memref_squeeze %dma_wait3A_70 : memref<1x128xi32, #tpu.memory_space<vmem>> -> memref<128xi32, #tpu.memory_space<vmem>>
        %dma_wait3A_72 = arith.constant 0 : i32
        %dma_wait3A_73 = arith.constant 0 : i32
        %dma_wait3A_74 = tpu.memref_slice %arg7[%dma_wait3A_72, %dma_wait3A_73] : memref<10112x16xf32, #tpu.memory_space<vmem_shared>> -> memref<10112x16xf32, #tpu.memory_space<vmem_shared>>
        tpu.wait_indirect_dma semaphore(%run_scoped3A : memref<!tpu.dma_semaphore, #tpu.memory_space<semaphore_mem>>) src(%arg5 : memref<128x16xf32, #tpu.memory_space<vmem>>) dst(%dma_wait3A_74 : memref<10112x16xf32, #tpu.memory_space<vmem_shared>>)
        tpu.yield
      }) : () -> ()
      %while3A_62 = arith.constant 0 : i32
      scf.yield %while3A_62 : i32
    }
    %while3A_53 = arith.constant 1 : i32
    %while3A_54 = scf.for %while3A_60 = %while3A_50 to %while3A_46 step %while3A_53 iter_args(%while3A_61 = %while3A_52) -> (i32)  : i32 {
      "tpu.region"() ({
        %run_scoped3A = tpu.sem_alloc : memref<!tpu.dma_semaphore, #tpu.memory_space<semaphore_mem>>
        %dma_start3A_63 = arith.constant 0 : i32
        %dma_start3A_64 = tpu.memref_slice %arg4[%while3A_60, %dma_start3A_63] : memref<79x128xi32, #tpu.memory_space<vmem>> -> memref<1x128xi32, #tpu.memory_space<vmem>>
        %dma_start3A_65 = tpu.memref_squeeze %dma_start3A_64 : memref<1x128xi32, #tpu.memory_space<vmem>> -> memref<128xi32, #tpu.memory_space<vmem>>
        %dma_start3A_66 = arith.constant 0 : i32
        %dma_start3A_67 = arith.constant 0 : i32
        %dma_start3A_68 = tpu.memref_slice %arg7[%dma_start3A_66, %dma_start3A_67] : memref<10112x16xf32, #tpu.memory_space<vmem_shared>> -> memref<10112x16xf32, #tpu.memory_space<vmem_shared>>
        tpu.enqueue_indirect_dma source(%arg5 : memref<128x16xf32, #tpu.memory_space<vmem>>) target(%dma_start3A_68 : memref<10112x16xf32, #tpu.memory_space<vmem_shared>>) offsets(%dma_start3A_65 : memref<128xi32, #tpu.memory_space<vmem>>) semaphore(%run_scoped3A : memref<!tpu.dma_semaphore, #tpu.memory_space<semaphore_mem>>) {add = true}
        %dma_wait3A_69 = arith.constant 0 : i32
        %dma_wait3A_70 = tpu.memref_slice %arg4[%while3A_60, %dma_wait3A_69] : memref<79x128xi32, #tpu.memory_space<vmem>> -> memref<1x128xi32, #tpu.memory_space<vmem>>
        %dma_wait3A_71 = tpu.memref_squeeze %dma_wait3A_70 : memref<1x128xi32, #tpu.memory_space<vmem>> -> memref<128xi32, #tpu.memory_space<vmem>>
        %dma_wait3A_72 = arith.constant 0 : i32
        %dma_wait3A_73 = arith.constant 0 : i32
        %dma_wait3A_74 = tpu.memref_slice %arg7[%dma_wait3A_72, %dma_wait3A_73] : memref<10112x16xf32, #tpu.memory_space<vmem_shared>> -> memref<10112x16xf32, #tpu.memory_space<vmem_shared>>
        tpu.wait_indirect_dma semaphore(%run_scoped3A : memref<!tpu.dma_semaphore, #tpu.memory_space<semaphore_mem>>) src(%arg5 : memref<128x16xf32, #tpu.memory_space<vmem>>) dst(%dma_wait3A_74 : memref<10112x16xf32, #tpu.memory_space<vmem_shared>>)
        tpu.yield
      }) : () -> ()
      %while3A_62 = arith.constant 0 : i32
      scf.yield %while3A_62 : i32
    }
    %barrier3A_55 = arith.constant 0 : index
    tpu.barrier barrier_id(%barrier3A_55)
    %mul3A_56 = arith.constant 632 : i32
    %mul3A_57 = arith.muli %arg1, %mul3A_56 : i32
    %mul3A_58 = arith.constant 632 : i32
    %mul3A_59 = arith.muli %arg1, %mul3A_58 : i32
    "tpu.region"() ({
      %run_scoped3A = tpu.sem_alloc : memref<!tpu.dma_semaphore, #tpu.memory_space<semaphore_mem>>
      %dma_start3A_60 = arith.constant 0 : i32
      %dma_start3A_61 = tpu.memref_slice %arg3[%arg0, %mul3A_59, %dma_start3A_60] : memref<2x10112x16xf32, #tpu.memory_space<hbm>> -> memref<1x632x16xf32, #tpu.memory_space<hbm>>
      %dma_start3A_62 = tpu.memref_squeeze %dma_start3A_61 : memref<1x632x16xf32, #tpu.memory_space<hbm>> -> memref<632x16xf32, #tpu.memory_space<hbm>>
      %dma_start3A_63 = arith.constant 0 : i32
      %dma_start3A_64 = tpu.memref_slice %arg7[%mul3A_57, %dma_start3A_63] : memref<10112x16xf32, #tpu.memory_space<vmem_shared>> -> memref<632x16xf32, #tpu.memory_space<vmem_shared>>
      tpu.enqueue_dma source(%dma_start3A_64 : memref<632x16xf32, #tpu.memory_space<vmem_shared>>) target(%dma_start3A_62 : memref<632x16xf32, #tpu.memory_space<hbm>>) target_semaphore(%run_scoped3A : memref<!tpu.dma_semaphore, #tpu.memory_space<semaphore_mem>>)
      %dma_wait3A_65 = arith.constant 0 : i32
      %dma_wait3A_66 = tpu.memref_slice %arg3[%arg0, %mul3A_59, %dma_wait3A_65] : memref<2x10112x16xf32, #tpu.memory_space<hbm>> -> memref<1x632x16xf32, #tpu.memory_space<hbm>>
      %dma_wait3A_67 = tpu.memref_squeeze %dma_wait3A_66 : memref<1x632x16xf32, #tpu.memory_space<hbm>> -> memref<632x16xf32, #tpu.memory_space<hbm>>
      %dma_wait3A_68 = arith.constant 0 : i32
      %dma_wait3A_69 = tpu.memref_slice %arg7[%mul3A_57, %dma_wait3A_68] : memref<10112x16xf32, #tpu.memory_space<vmem_shared>> -> memref<632x16xf32, #tpu.memory_space<vmem_shared>>
      tpu.wait_dma2 semaphore(%run_scoped3A : memref<!tpu.dma_semaphore, #tpu.memory_space<semaphore_mem>>) src(%dma_wait3A_69 : memref<632x16xf32, #tpu.memory_space<vmem_shared>>) dst(%dma_wait3A_67 : memref<632x16xf32, #tpu.memory_space<hbm>>)
      tpu.yield
    }) : () -> ()
    return
  }
}

</mosaic_0001>

<sc_bundles>
// kernel: _deg_call.3.cloned.1.call-start
scs
__scs_entry_jumppad:
0x0: {  	(pc) =	sbr.rel $0x88, $3  }
0x1: {  	(tag) =	ssettag $0x0;
	lr =	simm.s32 $0x1  }
0x2: {  	[smem:$0x3FA0] =	sst lr;
	_ =	strace $0xD0000000  }
0x3: {  	_ = 	snop  }
0x4: {  	_ = 	snop  }
0x5: {  	_ = 	snop  }
0x6: {  	_ = 	snop  }
0x7: {  	_ = 	snop  }
__scs_overlays_trampoline_lowered:
0x8: {  	[smem:$0x3FAF] =	sst s0  }
0x9: {  	[smem:$0x3FB0] =	sst s1  }
0xa: {  	[smem:$0x3FB1] =	sst s2  }
0xb: {  	[smem:$0x3FB2] =	sst s3  }
0xc: {  	[smem:$0x3FB3] =	sst s4  }
0xd: {  	[smem:$0x3FB4] =	sst s5  }
0xe: {  	[smem:$0x3FB5] =	sst s6  }
0xf: {  	[smem:$0x3FB6] =	sst s7  }
0x10: {  	[smem:$0x3FB7] =	sst s8  }
0x11: {  	[smem:$0x3FB8] =	sst s9;
	s0 =	simm.s32 @!p0 $0x0  }
0x12: {  	s1 =	sld [smem:$0x3F9E];
	s0 =	simm.s32 @p0 $0x1  }
0x13: {  	[smem:$0x3FB9] =	sst s0;
	s0 =	simm.s32 @!p1 $0x0  }
0x14: {  	s2 =	sld [smem:$0x3F9D];
	s0 =	simm.s32 @p1 $0x1  }
0x15: {  	[smem:$0x3FBA] =	sst s0;
	s0 =	simm.s32 @!p2 $0x0  }
0x16: {  	s3 =	sld [smem:$0x3FDB];
	s0 =	simm.s32 @p2 $0x1  }
0x17: {  	s4 =	simm.s32 $0x1BF5;
	[smem:$0x3FBC] =	sst s0  }
0x18: {  	s0 =	sld [smem:$0x3F9F];
	_ =	swait.ge [sflag:s4], $0x0  }
0x19: {  	s7 =	sld [smem:$0x3FA0]  }
0x1a: {  	s8 =	sadd.s32 $0xFFFFE003, lr  }
0x1b: {  	s9 =	sadd.s32 $0xFFFFFEF7, lr;
	s5 =	simm.s32 $0xFFFFFFFF;
	p2 =	slt.u32 s8, $0xFFFFF086  }
0x1c: {  	p1 =	slt.u32 s9, $0xF7A;
	s5 =	simm.s32 @!p2 $0x0  }
0x1d: {  	s5 =	simm.s32 @p1 $0x1;
	p0 =	seq.s32 s7, s2  }
0x1e: {  	s7 =	smul.u32 @!p0 $0xF7A, s2;
	p2 =	seq.s32 @!p0 s5, $0x0  }
0x1f: {  	s9 =	smul.u32 $0xF7A, s1;
	s8 =	simm.s32 @!p0 $0x1BF5;
	p2 =	por !p2, p0  }
0x20: {  	[sflag:s8] =	ssyncset.s32 @!p0 $0xFFFFF086;
	s6 =	sadd.s32 @!p0 s3, s7;
	s7 =	simm.s32 @!p0 $0x108  }
0x21: {  	s3 =	sadd.s32 s3, s9;
	s6 =	sadd.s32 @!p0 $0x88, s6;
	s7 =	simm.s32 @p2 $0x1082  }
0x22: {  	[simem:s7], [sflag:s8] =	dma.local @!p0 [hbm:s6], $0xF7A  }
0x23: {  	s9 =	sor.u32 $0xD0000000, s2;
	s6 =	simm.s32 $0x108;
	_ =	swait.ge @!p0 [sflag:s8], $0x0  }
0x24: {  	s3 =	sadd.s32 $0x88, s3;
	s6 =	simm.s32 @!p1 $0x1082;
	[sflag:s4] =	ssyncset.s32 $0xFFFFF086  }
0x25: {  	[simem:s6], [sflag:s4] =	dma.local [hbm:s3], $0xF7A  }
0x26: {  	[smem:$0x3FA0] =	sst s1;
	(tag) =	ssettag s2;
	_ =	strace s9  }
0x27: {  	s1 =	sld [smem:$0x3FB0]  }
0x28: {  	s2 =	sld [smem:$0x3FB1]  }
0x29: {  	s4 =	sld [smem:$0x3FB3]  }
0x2a: {  	p0 =	seq.s32 s5, $0x0;
	s5 =	sld [smem:$0x3FB4]  }
0x2b: {  	s6 =	sld [smem:$0x3FB5]  }
0x2c: {  	s7 =	sld [smem:$0x3FB6]  }
0x2d: {  	s3 =	simm.s32 $0x108;
	s8 =	sld [smem:$0x3FB7]  }
0x2e: {  	s3 =	simm.s32 @!p0 $0x1082;
	s9 =	sld [smem:$0x3FB8]  }
0x2f: {  	lr =	sadd.s32 s0, s3;
	s0 =	sld [smem:$0x3FAF]  }
0x30: {  	s3 =	sld [smem:$0x3FB2]  }
0x31: {  	[smem:$0x3FBB] =	sst s10  }
0x32: {  	s10 =	sld [smem:$0x3FB9];
	_ =	sdelay $0x3  }
0x33: {  	p0 =	seq.s32 s10, $0x1;
	s10 =	sld [smem:$0x3FBB];
	_ =	sdelay $0x3  }
0x34: {  	[smem:$0x3FBB] =	sst s10  }
0x35: {  	s10 =	sld [smem:$0x3FBA];
	_ =	sdelay $0x3  }
0x36: {  	p1 =	seq.s32 s10, $0x1;
	s10 =	sld [smem:$0x3FBB];
	_ =	sdelay $0x3  }
0x37: {  	[smem:$0x3FBB] =	sst s10  }
0x38: {  	s10 =	sld [smem:$0x3FBC]  }
0x39: {  	_ = 	snop;
	(pc) =	sbr.ind lr, $3  }
0x3a: {  	_ = 	snop  }
0x3b: {  	_ = 	snop  }
0x3c: {  	p2 =	seq.s32 s10, $0x1;
	s10 =	sld [smem:$0x3FBB]  }
0x3d: {  	_ =	shalt  }
0x3e: {  	_ =	shalt  }
0x3f: {  	_ =	shalt  }
0x40: {  	_ =	shalt  }
0x41: {  	_ =	shalt  }
0x42: {  	_ =	shalt  }
0x43: {  	_ =	shalt  }
0x44: {  	_ =	shalt  }
0x45: {  	_ =	shalt  }
0x46: {  	_ =	shalt  }
0x47: {  	_ =	shalt  }
0x48: {  	_ =	shalt  }
0x49: {  	_ =	shalt  }
0x4a: {  	_ =	shalt  }
0x4b: {  	_ =	shalt  }
0x4c: {  	_ =	shalt  }
0x4d: {  	_ =	shalt  }
0x4e: {  	_ =	shalt  }
0x4f: {  	_ =	shalt  }
0x50: {  	_ =	shalt  }
0x51: {  	_ =	shalt  }
0x52: {  	_ =	shalt  }
0x53: {  	_ =	shalt  }
0x54: {  	_ =	shalt  }
0x55: {  	_ =	shalt  }
0x56: {  	_ =	shalt  }
0x57: {  	_ =	shalt  }
0x58: {  	_ =	shalt  }
0x59: {  	_ =	shalt  }
0x5a: {  	_ =	shalt  }
0x5b: {  	_ =	shalt  }
0x5c: {  	_ =	shalt  }
0x5d: {  	_ =	shalt  }
0x5e: {  	_ =	shalt  }
0x5f: {  	_ =	shalt  }
0x60: {  	_ =	shalt  }
0x61: {  	_ =	shalt  }
0x62: {  	_ =	shalt  }
0x63: {  	_ =	shalt  }
0x64: {  	_ =	shalt  }
0x65: {  	_ =	shalt  }
0x66: {  	_ =	shalt  }
0x67: {  	_ =	shalt  }
0x68: {  	_ =	shalt  }
0x69: {  	_ =	shalt  }
0x6a: {  	_ =	shalt  }
0x6b: {  	_ =	shalt  }
0x6c: {  	_ =	shalt  }
0x6d: {  	_ =	shalt  }
0x6e: {  	_ =	shalt  }
0x6f: {  	_ =	shalt  }
0x70: {  	_ =	shalt  }
0x71: {  	_ =	shalt  }
0x72: {  	_ =	shalt  }
0x73: {  	_ =	shalt  }
0x74: {  	_ =	shalt  }
0x75: {  	_ =	shalt  }
0x76: {  	_ =	shalt  }
0x77: {  	_ =	shalt  }
0x78: {  	_ =	shalt  }
0x79: {  	_ =	shalt  }
0x7a: {  	_ =	shalt  }
0x7b: {  	_ =	shalt  }
0x7c: {  	_ =	shalt  }
0x7d: {  	_ =	shalt  }
0x7e: {  	_ =	shalt  }
0x7f: {  	_ =	shalt  }
0x80: {  	_ =	shalt  }
0x81: {  	_ =	shalt  }
0x82: {  	_ =	shalt  }
0x83: {  	_ =	shalt  }
0x84: {  	_ =	shalt  }
0x85: {  	_ =	shalt  }
0x86: {  	_ =	shalt  }
0x87: {  	_ =	shalt  }
.Lfunc_end0:
.L_simem_size_0:
called_computation_lowered:
.L_overlay_start_0:
0x88: {  	s2 =	sld [smem:$0x3FD9]  }
0x89: {  	s3 =	sld [smem:$0x3FFE];
	_ =	sdelay $0x1  }
0x8a: {  	s1 =	srdreg.scid  }
0x8b: {  	s0 =	sand.u32 $0x1, s1  }
0x8c: {  	s17 =	sshll.u32 s0, $0xA;
	s2 =	sadd.s32 s3, s2  }
0x8d: {  	s2 =	sadd.s32 s2, s17  }
0x8e: {  	[smem:$0x3FC7] =	sst s2  }
0x8f: {  	_ = 	snop  }
0x90: {  	s2 =	sld [smem:$0x3FD0];
	(tm) =	ssettm $0x1  }
0x91: {  	s18 =	sld [smem:$0x3FFB];
	_ =	sdelay $0x3  }
0x92: {  	_ =	strace s18  }
0x93: {  	s3 =	sld [smem:$0x3FFC];
	_ =	sdelay $0x3  }
0x94: {  	_ =	strace s3  }
0x95: {  	s3 =	sld [smem:$0x3FFD];
	_ =	sdelay $0x3  }
0x96: {  	_ =	strace s3  }
0x97: {  	_ =	strace $0x8FFFFFFF  }
0x98: {  	s19 =	sld [smem:$0x3FDB];
	_ =	sdelay $0x1  }
0x99: {  	s4 =	simm.s32 $_scs_section_size  }
0x9a: {  	s5 =	simm.s32 $_size__tile_overlayer_lowered;
	s6 =	simm.s32 $_tile_overlayer_lowered  }
0x9b: {  	s22 =	simm.s32 $0x1BFF;
	s21 =	sshll.u32 s6, $0x1;
	s3 =	sadd.s32 s4, s19  }
0x9c: {  	s7 =	simm.s32 $0x0;
	s20 =	sshll.u32 s5, $0x1;
	s5 =	sadd.s32 s21, s3  }
0x9d: {  	[timem:s7], [sflag:s22] =	dma.local [hbm:s5], s20  }
0x9e: {  	_ =	swait.ge [sflag:s22], s20  }
0x9f: {  	s4 =	ssub.s32 $0x0, s20;
	[sflag:s22] =	ssyncset.done $0x0  }
0xa0: {  	[sflag:s22] =	ssyncadd.s32 s4;
	_ =	sdelay $0x1  }
0xa1: {  	s23 =	simm.s32 $0x1B8B  }
0xa2: {  	_ =	swait.ge [sflag:s23], $0x1  }
0xa3: {  	[sflag:s23] =	ssyncset.done $0x0  }
0xa4: {  	s25 =	simm.s32 $0x1B8E;
	s24 =	sld [smem:$0x3FFE];
	[sflag:s23] =	ssyncadd.s32 $0xFFFFFFFF  }
0xa5: {  	s26 =	simm.s32 $execute0_lowered;
	[smem:$0x3FD2] =	sst s25  }
0xa6: {  	s5 =	sshll.u32 s26, $0x1;
	_ =	strace $0x80000046;
	[dreg:$0x1] =	wrdreg $0xFFFFFFFF  }
0xa7: {  	s28 =	simm.s32 $_size_execute0_lowered;
	s3 =	sadd.s32 s3, s5;
	[dreg:$0x0] =	wrdreg $0x0  }
0xa8: {  	s5 =	sshll.u32 s28, $0x1;
	[dreg:$0x2] =	wrdreg s3  }
0xa9: {  	[dreg:$0x3] =	wrdreg s5  }
0xaa: {  	[dreg:$0x4] =	wrdreg $0xC0  }
0xab: {  	_ =	task [dreg:s7], $0x5FFFF  }
0xac: {  	[dreg:$0x1] =	wrdreg $0xFFFFFFFF  }
0xad: {  	[dreg:$0x0] =	wrdreg $0x60  }
0xae: {  	[dreg:$0x2] =	wrdreg s24  }
0xaf: {  	[dreg:$0x3] =	wrdreg s2  }
0xb0: {  	[dreg:$0x4] =	wrdreg $0x57000  }
0xb1: {  	[dreg:$0x5] =	wrdreg $0x9  }
0xb2: {  	_ =	task.clear_ibuf [dreg:s7], $0x6FFFF;
	_ =	strace $0x90000046  }
0xb3: {  	s29 =	simm.s32 $0x9;
	_ =	strace $0x80000048  }
0xb4: {  	_ =	swait.ge [sflag:s29], $0x1  }
0xb5: {  	[sflag:s29] =	ssyncadd.s32 $0xFFFFFFFF  }
0xb6: {  	_ =	strace $0x90000048  }
0xb7: {  	_ =	sfence  }
0xb8: {  	s30 =	sld [smem:$0x0];
	_ =	sdelay $0x2  }
0xb9: {  	s31 =	sshll.u32 s1, $0xD;
	s1 =	sshrl.u32 s1, $0x2  }
0xba: {  	s3 =	sand.u32 $0x4000, s31;
	s1 =	sadd.s32 s1, s30  }
0xbb: {  	s0 =	sor.u32 s3, s0;
	s1 =	sshll.u32 s1, $0x11  }
0xbc: {  	s0 =	sor.u32 s1, s0  }
0xbd: {  	s0 =	sadd.s32 $0x8F2B, s0  }
0xbe: {  	[sflag:s0] =	ssyncadd.remote.s32 $0x1  }
0xbf: {  	_ =	sfence.sel $0xFFFF  }
0xc0: {  	[dreg:$0x0] =	wrdreg $0xFFFFFFFF;
	(pc) =	sbr.abs _section_cstart, $3  }
0xc1: {  	[dreg:$0x1] =	wrdreg $0xFFFFFFFF  }
0xc2: {  	_ =	task.clear_ibuf [dreg:s7], $0x2FFFF;
	_ =	strace $0x9FFFFFFF  }
0xc3: {  	(tm) =	ssettm $0x7FFFFFFF  }
tec
execute0_lowered:
.L_overlay_start_1:
0x0: {  	(tag) =	ssettag $0x1  }
0x1: {  	s5 =	rddreg [dreg:$0x0]  }
0x2: {  	s7 =	rddreg [dreg:$0x1]  }
0x3: {  	s1 =	rddreg [dreg:$0x2];
	s2 =	srdreg.scid  }
0x4: {  	s0 =	rddreg [dreg:$0x3];
	s3 =	simm.s32 $0x0;
	s13 =	simm.s32 $0x2780  }
0x5: {  	s14 =	simm.s32 $0x0;
	s4 =	sand.u32 $0x1, s2;
	s2 =	stileid.u32  }
0x6: {  	[smem:$0x7FF] =	sst s3;
	s6 =	sshll.u32 s4, $0x4;
	s11 =	smul.u32 $0x2780, s2  }
0x7: {  	_ =	strace $0x80000047;
	s9 =	ssub.s32 $0x2, s4;
	s28 =	smul.u32 $0x27800, s4  }
0x8: {  	s4 =	simm.s32 $0x3;
	s6 =	sor.u32 s2, s6;
	s12 =	sshrl.u32 s9, $0x1  }
0x9: {  	s8 =	smul.u32 $0x4E, s6;
	s10 =	smax.u32 s6, $0x1C;
	s9 =	ssub.s32 s9, s12  }
0xa: {  	p0 =	sgt.u32 s6, $0x1B;
	s30 =	sadd.s32 s11, s28;
	s6 =	sadd.s32 s11, s1  }
0xb: {  	s11 =	simm.s32 $0x1;
	s12 =	simm.s32 $0x80;
	s8 =	sadd.s32 s8, s10  }
0xc: {  	s4 =	simm.s32 @!p0 $0x2;
	s31 =	sshrl.u32 s30, $0x3;
	s29 =	sshll.u32 s8, $0x4  }
0xd: {  	s7 =	sadd.s32 s7, s31;
	s10 =	simm.s32 $0x2;
	s5 =	sadd.s32 s5, s29  }
0xe: {  	v0 =	vimm.f32 $1.000000000e+00;
	v1 =	vimm.f32 $0.0e+00;
	s8 =	smax.u32 s9, $0x1;
	s9 =	simm.s32 $0x2F80;
	s5 =	sadd.s32 $0x9E80, s5  }
.LBB2_1:
0xf: {  	[tilespmem:s3], [sflag:$0x1] =	stream.linear.gather [hbm4b:s5+s3], $0x2780, $0x38;
	[tilespmem:$0x7E80] =	vst v63  }
0x10: {  	s15 =	simm.s32 $0x0  }
.LBB2_2:
0x11: {  	p0 =	sne.s32 s15, $0x1FC0  }
.Ltmp0:
0x12: {  	_ = 	snop;
	(pc) =	sbr.rel @p0 .LBB2_2-.Ltmp0, $3  }
0x13: {  	_ =	sdelay $0x1  }
0x14: {  	s16 =	sshra.s32 s15, $0x2  }
0x15: {  	s15 =	sadd.s32 $0x40, s15;
	[tilespmem:s16+$0x2780] =	vst v0  }
0x16: {  	s15 =	simm.s32 $0x40;
	s16 =	simm.s32 $0x0  }
.LBB2_4:
0x17: {  	p0 =	sne.s32 s15, $0x9DC0;
	[tilespmem:s16+$0x2F80] =	vst v1;
	s16 =	smov.u32 s15;
	s15 =	sadd.s32 $0x40, s15  }
.Ltmp1:
0x18: {  	(pc) =	sbr.rel @p0 .LBB2_4-.Ltmp1, $2  }
0x19: {  	_ =	sdelay $0x2  }
0x1a: {  	s16 =	sshra.s32 s16, $0x2  }
0x1b: {  	[tilespmem:s16+$0x2F80] =	vst v1  }
0x1c: {  	[spmem:s6] =	stream.linear.scatter [tilespmem:s9], [sflag:$0x2], $0x2780, $0x38;
	[tilespmem:$0x7E80] =	vst v63  }
0x1d: {  	_ =	swait.ge [sflag:s10], $0x2780  }
0x1e: {  	[sflag:s10] =	ssyncset.done $0x0  }
0x1f: {  	[sflag:s10] =	ssyncadd.s32 $0xFFFFD880  }
0x20: {  	_ =	swait.ge [sflag:s11], $0x2780  }
0x21: {  	[sflag:s11] =	ssyncset.done $0x0  }
0x22: {  	[sflag:s11] =	ssyncadd.s32 $0xFFFFD880  }
0x23: {  	s15 =	simm.s32 $0x0;
	[bflag:$0x0] =	sbarrier.arrive $0xFFFF  }
0x24: {  	[spmem:s1] =	stream.indirect.scatter.add.f32 [tilespmem:s13], [sflag:$0x1], $0x10, s15, s12, $0xb8;
	[tilespmem:$0x7E80] =	vst v63  }
0x25: {  	s29 =	simm.s32 $0x80  }
0x26: {  	[spmem:s1] =	stream.indirect.scatter.add.f32 [tilespmem:s13], [sflag:$0x1], $0x10, s29, s12, $0xb8;
	[tilespmem:$0x7E80] =	vst v63  }
0x27: {  	s30 =	simm.s32 $0x100  }
0x28: {  	[spmem:s1] =	stream.indirect.scatter.add.f32 [tilespmem:s13], [sflag:$0x1], $0x10, s30, s12, $0xb8;
	[tilespmem:$0x7E80] =	vst v63  }
0x29: {  	s31 =	simm.s32 $0x180  }
0x2a: {  	[spmem:s1] =	stream.indirect.scatter.add.f32 [tilespmem:s13], [sflag:$0x1], $0x10, s31, s12, $0xb8;
	[tilespmem:$0x7E80] =	vst v63  }
0x2b: {  	_ =	swait.ge [sflag:s11], $0x800  }
0x2c: {  	[sflag:s11] =	ssyncset.done $0x0  }
0x2d: {  	[sflag:s11] =	ssyncadd.s32 $0xFFFFF800  }
0x2e: {  	_ =	swait.ge [sflag:s11], $0x800  }
0x2f: {  	[sflag:s11] =	ssyncset.done $0x0  }
0x30: {  	[sflag:s11] =	ssyncadd.s32 $0xFFFFF800  }
0x31: {  	_ =	swait.ge [sflag:s11], $0x800  }
0x32: {  	[sflag:s11] =	ssyncset.done $0x0  }
0x33: {  	[sflag:s11] =	ssyncadd.s32 $0xFFFFF800  }
0x34: {  	_ =	swait.ge [sflag:s11], $0x800  }
0x35: {  	s16 =	simm.s32 $0x1000;
	s15 =	simm.s32 $0x800;
	[sflag:s11] =	ssyncset.done $0x0  }
.LBB2_6:
0x36: {  	s17 =	sshra.s32 s15, $0x2  }
0x37: {  	[sflag:s11] =	ssyncadd.s32 $0xFFFFF800;
	s15 =	smov.u32 s16;
	s18 =	sadd.s32 $0x800, s16  }
0x38: {  	[spmem:s1] =	stream.indirect.scatter.add.f32 [tilespmem:s13], [sflag:$0x1], $0x10, s17, s12, $0xb8;
	[tilespmem:$0x7E80] =	vst v63  }
0x39: {  	p0 =	sne.s32 s16, $0x9000;
	s16 =	sadd.s32 $0x80, s17  }
0x3a: {  	[spmem:s1] =	stream.indirect.scatter.add.f32 [tilespmem:s13], [sflag:$0x1], $0x10, s16, s12, $0xb8;
	[tilespmem:$0x7E80] =	vst v63  }
0x3b: {  	s16 =	sadd.s32 $0x100, s17  }
0x3c: {  	[spmem:s1] =	stream.indirect.scatter.add.f32 [tilespmem:s13], [sflag:$0x1], $0x10, s16, s12, $0xb8;
	[tilespmem:$0x7E80] =	vst v63  }
0x3d: {  	s16 =	sadd.s32 $0x180, s17  }
0x3e: {  	[spmem:s1] =	stream.indirect.scatter.add.f32 [tilespmem:s13], [sflag:$0x1], $0x10, s16, s12, $0xb8;
	[tilespmem:$0x7E80] =	vst v63  }
0x3f: {  	_ =	swait.ge [sflag:s11], $0x800  }
0x40: {  	[sflag:s11] =	ssyncset.done $0x0  }
0x41: {  	[sflag:s11] =	ssyncadd.s32 $0xFFFFF800  }
0x42: {  	_ =	swait.ge [sflag:s11], $0x800  }
0x43: {  	[sflag:s11] =	ssyncset.done $0x0  }
0x44: {  	[sflag:s11] =	ssyncadd.s32 $0xFFFFF800  }
.Ltmp2:
0x45: {  	_ =	swait.ge [sflag:s11], $0x800;
	(pc) =	sbr.rel @p0 .LBB2_6-.Ltmp2, $4  }
0x46: {  	[sflag:s11] =	ssyncset.done $0x0  }
0x47: {  	[sflag:s11] =	ssyncadd.s32 $0xFFFFF800  }
0x48: {  	_ =	swait.ge [sflag:s11], $0x800  }
0x49: {  	s16 =	smov.u32 s18;
	[sflag:s11] =	ssyncset.done $0x0  }
0x4a: {  	s15 =	sshra.s32 s15, $0x2;
	[sflag:s11] =	ssyncadd.s32 $0xFFFFF800  }
0x4b: {  	[spmem:s1] =	stream.indirect.scatter.add.f32 [tilespmem:s13], [sflag:$0x1], $0x10, s15, s12, $0xb8;
	[tilespmem:$0x7E80] =	vst v63  }
0x4c: {  	s16 =	sadd.s32 $0x80, s15  }
0x4d: {  	[spmem:s1] =	stream.indirect.scatter.add.f32 [tilespmem:s13], [sflag:$0x1], $0x10, s16, s12, $0xb8;
	[tilespmem:$0x7E80] =	vst v63  }
0x4e: {  	s31 =	sadd.s32 $0x100, s15  }
0x4f: {  	[spmem:s1] =	stream.indirect.scatter.add.f32 [tilespmem:s13], [sflag:$0x1], $0x10, s31, s12, $0xb8;
	[tilespmem:$0x7E80] =	vst v63  }
0x50: {  	s15 =	sadd.s32 $0x180, s15  }
0x51: {  	[spmem:s1] =	stream.indirect.scatter.add.f32 [tilespmem:s13], [sflag:$0x1], $0x10, s15, s12, $0xb8;
	[tilespmem:$0x7E80] =	vst v63  }
0x52: {  	_ =	swait.ge [sflag:s11], $0x800  }
0x53: {  	[sflag:s11] =	ssyncset.done $0x0  }
0x54: {  	[sflag:s11] =	ssyncadd.s32 $0xFFFFF800  }
0x55: {  	_ =	swait.ge [sflag:s11], $0x800  }
0x56: {  	[sflag:s11] =	ssyncset.done $0x0  }
0x57: {  	[sflag:s11] =	ssyncadd.s32 $0xFFFFF800  }
0x58: {  	_ =	swait.ge [sflag:s11], $0x800  }
0x59: {  	[sflag:s11] =	ssyncset.done $0x0  }
0x5a: {  	[sflag:s11] =	ssyncadd.s32 $0xFFFFF800  }
0x5b: {  	p0 =	sne.s32 s4, $0x1;
	_ =	swait.ge [sflag:s11], $0x800  }
.Ltmp3:
0x5c: {  	[sflag:s11] =	ssyncset.done $0x0;
	(pc) =	sbr.rel @!p0 .LBB2_9-.Ltmp3, $4  }
0x5d: {  	s15 =	simm.s32 $0x2600;
	[sflag:s11] =	ssyncadd.s32 $0xFFFFF800  }
0x5e: {  	[spmem:s1] =	stream.indirect.scatter.add.f32 [tilespmem:s13], [sflag:$0x2], $0x10, s15, s12, $0xb8;
	[tilespmem:$0x7E80] =	vst v63  }
0x5f: {  	_ =	swait.ge [sflag:s10], $0x800  }
0x60: {  	s16 =	sadd.s32 $0xFFFFFFFF, s4;
	[sflag:s10] =	ssyncset.done $0x0  }
.LBB2_8:
0x61: {  	p0 =	sne.s32 s16, $0x1;
	[sflag:s10] =	ssyncadd.s32 $0xFFFFF800;
	s15 =	sadd.s32 $0x80, s15  }
.Ltmp4:
0x62: {  	s16 =	sadd.s32 $0xFFFFFFFF, s16;
	(pc) =	sbr.rel @p0 .LBB2_8-.Ltmp4, $4  }
0x63: {  	_ = 	snop  }
0x64: {  	[spmem:s1] =	stream.indirect.scatter.add.f32 [tilespmem:s13], [sflag:$0x2], $0x10, s15, s12, $0xb8;
	[tilespmem:$0x7E80] =	vst v63  }
0x65: {  	_ =	swait.ge [sflag:s10], $0x800  }
0x66: {  	[sflag:s10] =	ssyncset.done $0x0  }
.LBB2_9:
0x67: {  	[sflag:s10] =	ssyncadd.s32 $0xFFFFF800;
	s14 =	sadd.s32 $0x1, s14  }
0x68: {  	s15 =	sshll.u32 s2, $0x6;
	s16 =	sshrl.u32 s6, $0x3;
	p0 =	sne.s32 s14, s8  }
.Ltmp5:
0x69: {  	[bflag:$0x0] =	sbarrier.arrive $0xFFFF;
	s15 =	sor.u32 $0x1C02, s15;
	(pc) =	sbr.rel @p0 .LBB2_1-.Ltmp5, $4  }
0x6a: {  	[hbm:s7], [sflag:s15] =	dma.local [spmem:s16], $0x4F0  }
0x6b: {  	_ =	swait.ge [sflag:s10], $0x4F0  }
0x6c: {  	[sflag:s10] =	ssyncset.done $0x0  }
0x6d: {  	[sflag:s10] =	ssyncadd.s32 $0xFFFFFB10  }
0x6e: {  	_ =	sfence.sel $0x180000  }
0x6f: {  	[bflag:$0x0] =	sbarrier.arrive $0xFFFF  }
0x70: {  	p0 =	sne.s32 s2, $0x0;
	_ =	strace $0x90000047  }
0x71: {  	s0 =	sadd.s32 @!p0 $0x100000, s0;
	[bflag:$0x2] =	sbarrier.arrive $0xFFFF  }
0x72: {  	[sflag:s0] =	ssyncadd.tile.s32 @!p0 $0x1;
	_ =	shalt  }
.Lfunc_end2:
_tile_overlayer_lowered:
.L_overlay_start_2:
0x73: {  	(tag) =	ssettag $0x2  }
0x74: {  	s0 =	rddreg [dreg:$0x0];
	s2 =	stileid.u32  }
0x75: {  	s1 =	rddreg [dreg:$0x1];
	p0 =	sne.s32 s2, $0x0  }
0x76: {  	s3 =	rddreg [dreg:$0x2];
	[bflag:$0x3] =	sbarrier.arrive $0xFFFF;
	s2 =	simm.s32 @!p0 $0x1C02  }
0x77: {  	[timem:s3], [sflag:s2] =	dma.local @!p0 [hbm:s0], s1  }
0x78: {  	s0 =	simm.s32 @!p0 $0x2  }
0x79: {  	_ =	swait.ge @!p0 [sflag:s0], s1  }
0x7a: {  	s1 =	ssub.s32 @!p0 $0x0, s1;
	[sflag:s0] =	ssyncset.done @!p0 $0x0  }
0x7b: {  	[sflag:s0] =	ssyncadd.s32 @!p0 s1  }
0x7c: {  	[bflag:$0x3] =	sbarrier.arrive $0xFFFF  }
0x7d: {  	_ =	shalt  }

</sc_bundles>
